<compile_context>
chip_gen: v7x
topology: tpu7x:2x2x1
jax: 0.10.2.dev20260603
libtpu: 0.0.44.dev20260713+nightly
codegen_flags: <defaults>
</compile_context>

<pallas_src>
import functools

import jax
import jax.numpy as jnp
from jax import lax
from jax.experimental import pallas as pl
from jax.experimental.pallas import tpu as pltpu
from jax.experimental.pallas import tpu_sc as plsc

NUM_T = 1000
BATCH = 16384
NC = 2
NS = 16
NW = NC * NS
BPW = BATCH // NW


def _sc_gather_body(beta_hbm, alpha_hbm, t_hbm, beta_out, alpha_out,
                    beta_v, alpha_v, idx_v, outb_v, outa_v,
                    semt, semb, sema, semo):
    sid = lax.axis_index("s")
    wid = sid * NC + lax.axis_index("c")
    b0 = wid * BPW

    ct = pltpu.async_copy(t_hbm.at[pl.ds(b0, BPW)], idx_v, semt)

    @pl.when(sid == 0)
    def _stage_beta():
        pltpu.sync_copy(beta_hbm, beta_v)

    @pl.when(sid == 1)
    def _stage_alpha():
        pltpu.sync_copy(alpha_hbm, alpha_v)

    plsc.subcore_barrier()
    ct.wait()
    cb = pltpu.async_copy(beta_v.at[idx_v], outb_v, semb)
    ca = pltpu.async_copy(alpha_v.at[idx_v], outa_v, sema)
    cb.wait()
    ca.wait()
    co1 = pltpu.async_copy(outb_v, beta_out.at[pl.ds(b0, BPW)], semo)
    co2 = pltpu.async_copy(outa_v, alpha_out.at[pl.ds(b0, BPW)], semo)
    co1.wait()
    co2.wait()


@jax.jit
def _sc_gather(beta, alpha, t):
    mesh = plsc.VectorSubcoreMesh(core_axis_name="c", subcore_axis_name="s")
    f = functools.partial(
        pl.kernel,
        mesh=mesh,
        out_type=(
            jax.ShapeDtypeStruct((BATCH,), jnp.float32),
            jax.ShapeDtypeStruct((BATCH,), jnp.float32),
        ),
        scratch_types=[
            pltpu.VMEM_SHARED((NUM_T,), jnp.float32),
            pltpu.VMEM_SHARED((NUM_T,), jnp.float32),
            pltpu.VMEM((BPW,), jnp.int32),
            pltpu.VMEM((BPW,), jnp.float32),
            pltpu.VMEM((BPW,), jnp.float32),
            pltpu.SemaphoreType.DMA,
            pltpu.SemaphoreType.DMA,
            pltpu.SemaphoreType.DMA,
            pltpu.SemaphoreType.DMA,
        ],
    )(_sc_gather_body)
    return f(beta, alpha, t)


def kernel(beta, alpha, t):
    beta_t, alpha_t = _sc_gather(beta, alpha, t.astype(jnp.int32))
    return (beta_t, alpha_t)

# --- scband reference (transcript-rebuilt; emitter-appended) ---
"""Pipeline reference for scband-ddpm-scheduler-18863496364460 (READ-ONLY COPY).

The authoritative reference and input builder live on the scoring server;
editing this copy changes nothing except your own understanding.
"""

import jax, jax.numpy as jnp
import numpy as np

NUM_TIME_STEPS = 1000
BATCH = 16384


def setup_inputs(seed: int = 0) -> dict:
    key = jax.random.key(seed)
    t = jax.random.randint(key, (BATCH,), 0, NUM_TIME_STEPS, dtype=jnp.int64 if jax.config.jax_enable_x64 else jnp.int32)
    beta = jnp.linspace(1e-4, 0.02, NUM_TIME_STEPS, dtype=jnp.float32)
    alpha = jnp.cumprod(1.0 - beta, axis=0)
    return {"beta": beta, "alpha": alpha, "t": t}


def reference(beta, alpha, t):
    # Faithful translation of DDPM_Scheduler.forward: gather from the
    # precomputed beta schedule and cumulative-product alpha schedule.
    beta_t = jnp.take(beta, t, axis=0)
    alpha_t = jnp.take(alpha, t, axis=0)
    return (beta_t, alpha_t)

if __name__ == "__main__":
    import jax
    _d = setup_inputs()
    print(jax.jit(kernel)(*tuple(_d.values())))

</pallas_src>

<mosaic_0001>
#map = affine_map<(d0, d1) -> (0)>
module attributes {stable_mosaic.version = 14 : i64} {
  func.func @_sc_gather_body(%arg0: i32, %arg1: i32, %arg2: memref<1000xf32, #tpu.memory_space<hbm>>, %arg3: memref<1000xf32, #tpu.memory_space<hbm>>, %arg4: memref<16384xi32, #tpu.memory_space<hbm>>, %arg5: memref<16384xf32, #tpu.memory_space<hbm>>, %arg6: memref<16384xf32, #tpu.memory_space<hbm>>, %arg7: memref<1000xf32, #tpu.memory_space<vmem_shared>>, %arg8: memref<1000xf32, #tpu.memory_space<vmem_shared>>, %arg9: memref<512xi32, #tpu.memory_space<vmem>>, %arg10: memref<512xf32, #tpu.memory_space<vmem>>, %arg11: memref<512xf32, #tpu.memory_space<vmem>>, %arg12: memref<!tpu.dma_semaphore, #tpu.memory_space<semaphore_mem>>, %arg13: memref<!tpu.dma_semaphore, #tpu.memory_space<semaphore_mem>>, %arg14: memref<!tpu.dma_semaphore, #tpu.memory_space<semaphore_mem>>, %arg15: memref<!tpu.dma_semaphore, #tpu.memory_space<semaphore_mem>>) attributes {dimension_semantics = [#tpu.dimension_semantics<core_parallel>, #tpu.dimension_semantics<subcore_parallel>], iteration_bounds = array<i64: 2, 16>, scalar_prefetch = 0 : i64, scratch_operands = 9 : i64, tpu.core_type = #tpu.core_type<sc_vector_subcore>, window_params = [{transform_indices = #map}, {transform_indices = #map}, {transform_indices = #map}, {transform_indices = #map}, {transform_indices = #map}]} {
    %mul3A = arith.constant 2 : i32
    %mul3A_0 = arith.muli %arg1, %mul3A : i32
    %add3A = arith.addi %mul3A_0, %arg0 : i32
    %mul3A_1 = arith.constant 512 : i32
    %mul3A_2 = arith.muli %add3A, %mul3A_1 : i32
    %dma_start3A = tpu.memref_slice %arg4[%mul3A_2] : memref<16384xi32, #tpu.memory_space<hbm>> -> memref<512xi32, #tpu.memory_space<hbm>>
    %dma_start3A_3 = tpu.memref_slice %arg4[%mul3A_2] : memref<16384xi32, #tpu.memory_space<hbm>> -> memref<512xi32, #tpu.memory_space<hbm>>
    tpu.enqueue_dma source(%dma_start3A_3 : memref<512xi32, #tpu.memory_space<hbm>>) target(%arg9 : memref<512xi32, #tpu.memory_space<vmem>>) target_semaphore(%arg12 : memref<!tpu.dma_semaphore, #tpu.memory_space<semaphore_mem>>)
    %eq3A = arith.constant 0 : i32
    %eq3A_4 = arith.cmpi eq, %arg1, %eq3A : i32
    %convert_element_type3A = arith.extui %eq3A_4 : i1 to i32
    %cond3A = arith.constant 0 : i32
    %cond3A_5 = arith.cmpi ne, %convert_element_type3A, %cond3A : i32
    scf.if %cond3A_5 {
      "tpu.region"() ({
        %run_scoped3A = tpu.sem_alloc : memref<!tpu.dma_semaphore, #tpu.memory_space<semaphore_mem>>
        tpu.enqueue_dma source(%arg2 : memref<1000xf32, #tpu.memory_space<hbm>>) target(%arg7 : memref<1000xf32, #tpu.memory_space<vmem_shared>>) target_semaphore(%run_scoped3A : memref<!tpu.dma_semaphore, #tpu.memory_space<semaphore_mem>>)
        tpu.wait_dma2 semaphore(%run_scoped3A : memref<!tpu.dma_semaphore, #tpu.memory_space<semaphore_mem>>) src(%arg2 : memref<1000xf32, #tpu.memory_space<hbm>>) dst(%arg7 : memref<1000xf32, #tpu.memory_space<vmem_shared>>)
        tpu.yield
      }) : () -> ()
    } else {
    }
    %eq3A_6 = arith.constant 1 : i32
    %eq3A_7 = arith.cmpi eq, %arg1, %eq3A_6 : i32
    %convert_element_type3A_8 = arith.extui %eq3A_7 : i1 to i32
    %cond3A_9 = arith.constant 0 : i32
    %cond3A_10 = arith.cmpi ne, %convert_element_type3A_8, %cond3A_9 : i32
    scf.if %cond3A_10 {
      "tpu.region"() ({
        %run_scoped3A = tpu.sem_alloc : memref<!tpu.dma_semaphore, #tpu.memory_space<semaphore_mem>>
        tpu.enqueue_dma source(%arg3 : memref<1000xf32, #tpu.memory_space<hbm>>) target(%arg8 : memref<1000xf32, #tpu.memory_space<vmem_shared>>) target_semaphore(%run_scoped3A : memref<!tpu.dma_semaphore, #tpu.memory_space<semaphore_mem>>)
        tpu.wait_dma2 semaphore(%run_scoped3A : memref<!tpu.dma_semaphore, #tpu.memory_space<semaphore_mem>>) src(%arg3 : memref<1000xf32, #tpu.memory_space<hbm>>) dst(%arg8 : memref<1000xf32, #tpu.memory_space<vmem_shared>>)
        tpu.yield
      }) : () -> ()
    } else {
    }
    %barrier3A = arith.constant 0 : index
    tpu.barrier barrier_id(%barrier3A)
    %dma_wait3A = tpu.memref_slice %arg4[%mul3A_2] : memref<16384xi32, #tpu.memory_space<hbm>> -> memref<512xi32, #tpu.memory_space<hbm>>
    %dma_wait3A_11 = tpu.memref_slice %arg4[%mul3A_2] : memref<16384xi32, #tpu.memory_space<hbm>> -> memref<512xi32, #tpu.memory_space<hbm>>
    tpu.wait_dma2 semaphore(%arg12 : memref<!tpu.dma_semaphore, #tpu.memory_space<semaphore_mem>>) src(%dma_wait3A_11 : memref<512xi32, #tpu.memory_space<hbm>>) dst(%arg9 : memref<512xi32, #tpu.memory_space<vmem>>)
    %dma_start3A_12 = arith.constant 0 : i32
    %dma_start3A_13 = tpu.memref_slice %arg7[%dma_start3A_12] : memref<1000xf32, #tpu.memory_space<vmem_shared>> -> memref<1000xf32, #tpu.memory_space<vmem_shared>>
    tpu.enqueue_indirect_dma source(%dma_start3A_13 : memref<1000xf32, #tpu.memory_space<vmem_shared>>) target(%arg10 : memref<512xf32, #tpu.memory_space<vmem>>) offsets(%arg9 : memref<512xi32, #tpu.memory_space<vmem>>) semaphore(%arg13 : memref<!tpu.dma_semaphore, #tpu.memory_space<semaphore_mem>>)
    %dma_start3A_14 = arith.constant 0 : i32
    %dma_start3A_15 = tpu.memref_slice %arg8[%dma_start3A_14] : memref<1000xf32, #tpu.memory_space<vmem_shared>> -> memref<1000xf32, #tpu.memory_space<vmem_shared>>
    tpu.enqueue_indirect_dma source(%dma_start3A_15 : memref<1000xf32, #tpu.memory_space<vmem_shared>>) target(%arg11 : memref<512xf32, #tpu.memory_space<vmem>>) offsets(%arg9 : memref<512xi32, #tpu.memory_space<vmem>>) semaphore(%arg14 : memref<!tpu.dma_semaphore, #tpu.memory_space<semaphore_mem>>)
    %dma_wait3A_16 = arith.constant 0 : i32
    %dma_wait3A_17 = tpu.memref_slice %arg7[%dma_wait3A_16] : memref<1000xf32, #tpu.memory_space<vmem_shared>> -> memref<1000xf32, #tpu.memory_space<vmem_shared>>
    tpu.wait_indirect_dma semaphore(%arg13 : memref<!tpu.dma_semaphore, #tpu.memory_space<semaphore_mem>>) src(%dma_wait3A_17 : memref<1000xf32, #tpu.memory_space<vmem_shared>>) dst(%arg10 : memref<512xf32, #tpu.memory_space<vmem>>)
    %dma_wait3A_18 = arith.constant 0 : i32
    %dma_wait3A_19 = tpu.memref_slice %arg8[%dma_wait3A_18] : memref<1000xf32, #tpu.memory_space<vmem_shared>> -> memref<1000xf32, #tpu.memory_space<vmem_shared>>
    tpu.wait_indirect_dma semaphore(%arg14 : memref<!tpu.dma_semaphore, #tpu.memory_space<semaphore_mem>>) src(%dma_wait3A_19 : memref<1000xf32, #tpu.memory_space<vmem_shared>>) dst(%arg11 : memref<512xf32, #tpu.memory_space<vmem>>)
    %dma_start3A_20 = tpu.memref_slice %arg5[%mul3A_2] : memref<16384xf32, #tpu.memory_space<hbm>> -> memref<512xf32, #tpu.memory_space<hbm>>
    %dma_start3A_21 = tpu.memref_slice %arg5[%mul3A_2] : memref<16384xf32, #tpu.memory_space<hbm>> -> memref<512xf32, #tpu.memory_space<hbm>>
    tpu.enqueue_dma source(%arg10 : memref<512xf32, #tpu.memory_space<vmem>>) target(%dma_start3A_21 : memref<512xf32, #tpu.memory_space<hbm>>) target_semaphore(%arg15 : memref<!tpu.dma_semaphore, #tpu.memory_space<semaphore_mem>>)
    %dma_start3A_22 = tpu.memref_slice %arg6[%mul3A_2] : memref<16384xf32, #tpu.memory_space<hbm>> -> memref<512xf32, #tpu.memory_space<hbm>>
    %dma_start3A_23 = tpu.memref_slice %arg6[%mul3A_2] : memref<16384xf32, #tpu.memory_space<hbm>> -> memref<512xf32, #tpu.memory_space<hbm>>
    tpu.enqueue_dma source(%arg11 : memref<512xf32, #tpu.memory_space<vmem>>) target(%dma_start3A_23 : memref<512xf32, #tpu.memory_space<hbm>>) target_semaphore(%arg15 : memref<!tpu.dma_semaphore, #tpu.memory_space<semaphore_mem>>)
    %dma_wait3A_24 = tpu.memref_slice %arg5[%mul3A_2] : memref<16384xf32, #tpu.memory_space<hbm>> -> memref<512xf32, #tpu.memory_space<hbm>>
    %dma_wait3A_25 = tpu.memref_slice %arg5[%mul3A_2] : memref<16384xf32, #tpu.memory_space<hbm>> -> memref<512xf32, #tpu.memory_space<hbm>>
    tpu.wait_dma2 semaphore(%arg15 : memref<!tpu.dma_semaphore, #tpu.memory_space<semaphore_mem>>) src(%arg10 : memref<512xf32, #tpu.memory_space<vmem>>) dst(%dma_wait3A_25 : memref<512xf32, #tpu.memory_space<hbm>>)
    %dma_wait3A_26 = tpu.memref_slice %arg6[%mul3A_2] : memref<16384xf32, #tpu.memory_space<hbm>> -> memref<512xf32, #tpu.memory_space<hbm>>
    %dma_wait3A_27 = tpu.memref_slice %arg6[%mul3A_2] : memref<16384xf32, #tpu.memory_space<hbm>> -> memref<512xf32, #tpu.memory_space<hbm>>
    tpu.wait_dma2 semaphore(%arg15 : memref<!tpu.dma_semaphore, #tpu.memory_space<semaphore_mem>>) src(%arg11 : memref<512xf32, #tpu.memory_space<vmem>>) dst(%dma_wait3A_27 : memref<512xf32, #tpu.memory_space<hbm>>)
    return
  }
}

</mosaic_0001>

<sc_bundles>
// kernel: _sc_gather.3.cloned.1.call-start
scs
__scs_entry_jumppad:
0x0: {  	(pc) =	sbr.rel $0x88, $3  }
0x1: {  	(tag) =	ssettag $0x0;
	lr =	simm.s32 $0x1  }
0x2: {  	[smem:$0x3F9E] =	sst lr;
	_ =	strace $0xD0000000  }
0x3: {  	_ = 	snop  }
0x4: {  	_ = 	snop  }
0x5: {  	_ = 	snop  }
0x6: {  	_ = 	snop  }
0x7: {  	_ = 	snop  }
__scs_overlays_trampoline_lowered:
0x8: {  	[smem:$0x3FAD] =	sst s0  }
0x9: {  	[smem:$0x3FAE] =	sst s1  }
0xa: {  	[smem:$0x3FAF] =	sst s2  }
0xb: {  	[smem:$0x3FB0] =	sst s3  }
0xc: {  	[smem:$0x3FB1] =	sst s4  }
0xd: {  	[smem:$0x3FB2] =	sst s5  }
0xe: {  	[smem:$0x3FB3] =	sst s6  }
0xf: {  	[smem:$0x3FB4] =	sst s7  }
0x10: {  	[smem:$0x3FB5] =	sst s8  }
0x11: {  	[smem:$0x3FB6] =	sst s9;
	s0 =	simm.s32 @!p0 $0x0  }
0x12: {  	s1 =	sld [smem:$0x3F9C];
	s0 =	simm.s32 @p0 $0x1  }
0x13: {  	[smem:$0x3FB7] =	sst s0;
	s0 =	simm.s32 @!p1 $0x0  }
0x14: {  	s2 =	sld [smem:$0x3F9B];
	s0 =	simm.s32 @p1 $0x1  }
0x15: {  	[smem:$0x3FB8] =	sst s0;
	s0 =	simm.s32 @!p2 $0x0  }
0x16: {  	s3 =	sld [smem:$0x3FDB];
	s0 =	simm.s32 @p2 $0x1  }
0x17: {  	s4 =	simm.s32 $0x1BF5;
	[smem:$0x3FBA] =	sst s0  }
0x18: {  	s0 =	sld [smem:$0x3F9D];
	_ =	swait.ge [sflag:s4], $0x0  }
0x19: {  	s7 =	sld [smem:$0x3F9E]  }
0x1a: {  	s8 =	sadd.s32 $0xFFFFE003, lr  }
0x1b: {  	s9 =	sadd.s32 $0xFFFFFEF7, lr;
	s5 =	simm.s32 $0xFFFFFFFF;
	p2 =	slt.u32 s8, $0xFFFFF086  }
0x1c: {  	p1 =	slt.u32 s9, $0xF7A;
	s5 =	simm.s32 @!p2 $0x0  }
0x1d: {  	s5 =	simm.s32 @p1 $0x1;
	p0 =	seq.s32 s7, s2  }
0x1e: {  	s7 =	smul.u32 @!p0 $0xF7A, s2;
	p2 =	seq.s32 @!p0 s5, $0x0  }
0x1f: {  	s9 =	smul.u32 $0xF7A, s1;
	s8 =	simm.s32 @!p0 $0x1BF5;
	p2 =	por !p2, p0  }
0x20: {  	[sflag:s8] =	ssyncset.s32 @!p0 $0xFFFFF086;
	s6 =	sadd.s32 @!p0 s3, s7;
	s7 =	simm.s32 @!p0 $0x108  }
0x21: {  	s3 =	sadd.s32 s3, s9;
	s6 =	sadd.s32 @!p0 $0x88, s6;
	s7 =	simm.s32 @p2 $0x1082  }
0x22: {  	[simem:s7], [sflag:s8] =	dma.local @!p0 [hbm:s6], $0xF7A  }
0x23: {  	s9 =	sor.u32 $0xD0000000, s2;
	s6 =	simm.s32 $0x108;
	_ =	swait.ge @!p0 [sflag:s8], $0x0  }
0x24: {  	s3 =	sadd.s32 $0x88, s3;
	s6 =	simm.s32 @!p1 $0x1082;
	[sflag:s4] =	ssyncset.s32 $0xFFFFF086  }
0x25: {  	[simem:s6], [sflag:s4] =	dma.local [hbm:s3], $0xF7A  }
0x26: {  	[smem:$0x3F9E] =	sst s1;
	(tag) =	ssettag s2;
	_ =	strace s9  }
0x27: {  	s1 =	sld [smem:$0x3FAE]  }
0x28: {  	s2 =	sld [smem:$0x3FAF]  }
0x29: {  	s4 =	sld [smem:$0x3FB1]  }
0x2a: {  	p0 =	seq.s32 s5, $0x0;
	s5 =	sld [smem:$0x3FB2]  }
0x2b: {  	s6 =	sld [smem:$0x3FB3]  }
0x2c: {  	s7 =	sld [smem:$0x3FB4]  }
0x2d: {  	s3 =	simm.s32 $0x108;
	s8 =	sld [smem:$0x3FB5]  }
0x2e: {  	s3 =	simm.s32 @!p0 $0x1082;
	s9 =	sld [smem:$0x3FB6]  }
0x2f: {  	lr =	sadd.s32 s0, s3;
	s0 =	sld [smem:$0x3FAD]  }
0x30: {  	s3 =	sld [smem:$0x3FB0]  }
0x31: {  	[smem:$0x3FB9] =	sst s10  }
0x32: {  	s10 =	sld [smem:$0x3FB7];
	_ =	sdelay $0x3  }
0x33: {  	p0 =	seq.s32 s10, $0x1;
	s10 =	sld [smem:$0x3FB9];
	_ =	sdelay $0x3  }
0x34: {  	[smem:$0x3FB9] =	sst s10  }
0x35: {  	s10 =	sld [smem:$0x3FB8];
	_ =	sdelay $0x3  }
0x36: {  	p1 =	seq.s32 s10, $0x1;
	s10 =	sld [smem:$0x3FB9];
	_ =	sdelay $0x3  }
0x37: {  	[smem:$0x3FB9] =	sst s10  }
0x38: {  	s10 =	sld [smem:$0x3FBA]  }
0x39: {  	_ = 	snop;
	(pc) =	sbr.ind lr, $3  }
0x3a: {  	_ = 	snop  }
0x3b: {  	_ = 	snop  }
0x3c: {  	p2 =	seq.s32 s10, $0x1;
	s10 =	sld [smem:$0x3FB9]  }
0x3d: {  	_ =	shalt  }
0x3e: {  	_ =	shalt  }
0x3f: {  	_ =	shalt  }
0x40: {  	_ =	shalt  }
0x41: {  	_ =	shalt  }
0x42: {  	_ =	shalt  }
0x43: {  	_ =	shalt  }
0x44: {  	_ =	shalt  }
0x45: {  	_ =	shalt  }
0x46: {  	_ =	shalt  }
0x47: {  	_ =	shalt  }
0x48: {  	_ =	shalt  }
0x49: {  	_ =	shalt  }
0x4a: {  	_ =	shalt  }
0x4b: {  	_ =	shalt  }
0x4c: {  	_ =	shalt  }
0x4d: {  	_ =	shalt  }
0x4e: {  	_ =	shalt  }
0x4f: {  	_ =	shalt  }
0x50: {  	_ =	shalt  }
0x51: {  	_ =	shalt  }
0x52: {  	_ =	shalt  }
0x53: {  	_ =	shalt  }
0x54: {  	_ =	shalt  }
0x55: {  	_ =	shalt  }
0x56: {  	_ =	shalt  }
0x57: {  	_ =	shalt  }
0x58: {  	_ =	shalt  }
0x59: {  	_ =	shalt  }
0x5a: {  	_ =	shalt  }
0x5b: {  	_ =	shalt  }
0x5c: {  	_ =	shalt  }
0x5d: {  	_ =	shalt  }
0x5e: {  	_ =	shalt  }
0x5f: {  	_ =	shalt  }
0x60: {  	_ =	shalt  }
0x61: {  	_ =	shalt  }
0x62: {  	_ =	shalt  }
0x63: {  	_ =	shalt  }
0x64: {  	_ =	shalt  }
0x65: {  	_ =	shalt  }
0x66: {  	_ =	shalt  }
0x67: {  	_ =	shalt  }
0x68: {  	_ =	shalt  }
0x69: {  	_ =	shalt  }
0x6a: {  	_ =	shalt  }
0x6b: {  	_ =	shalt  }
0x6c: {  	_ =	shalt  }
0x6d: {  	_ =	shalt  }
0x6e: {  	_ =	shalt  }
0x6f: {  	_ =	shalt  }
0x70: {  	_ =	shalt  }
0x71: {  	_ =	shalt  }
0x72: {  	_ =	shalt  }
0x73: {  	_ =	shalt  }
0x74: {  	_ =	shalt  }
0x75: {  	_ =	shalt  }
0x76: {  	_ =	shalt  }
0x77: {  	_ =	shalt  }
0x78: {  	_ =	shalt  }
0x79: {  	_ =	shalt  }
0x7a: {  	_ =	shalt  }
0x7b: {  	_ =	shalt  }
0x7c: {  	_ =	shalt  }
0x7d: {  	_ =	shalt  }
0x7e: {  	_ =	shalt  }
0x7f: {  	_ =	shalt  }
0x80: {  	_ =	shalt  }
0x81: {  	_ =	shalt  }
0x82: {  	_ =	shalt  }
0x83: {  	_ =	shalt  }
0x84: {  	_ =	shalt  }
0x85: {  	_ =	shalt  }
0x86: {  	_ =	shalt  }
0x87: {  	_ =	shalt  }
.Lfunc_end0:
.L_simem_size_0:
called_computation_lowered:
.L_overlay_start_0:
0x88: {  	s2 =	sld [smem:$0x3FD9]  }
0x89: {  	s3 =	sld [smem:$0x3FFE];
	_ =	sdelay $0x1  }
0x8a: {  	s1 =	srdreg.scid  }
0x8b: {  	s0 =	sand.u32 $0x1, s1  }
0x8c: {  	s15 =	sshll.u32 s0, $0xA;
	s2 =	sadd.s32 s3, s2  }
0x8d: {  	s2 =	sadd.s32 s2, s15  }
0x8e: {  	[smem:$0x3FC5] =	sst s2  }
0x8f: {  	_ = 	snop  }
0x90: {  	s2 =	sld [smem:$0x3FD0]  }
0x91: {  	s16 =	sld [smem:$0x3FC9]  }
0x92: {  	s4 =	sld [smem:$0x3FC8]  }
0x93: {  	s6 =	simm.s32 $0xA;
	s7 =	simm.s32 $0x10;
	s5 =	sld [smem:$0x3FC7]  }
0x94: {  	[smem:s7], [sflag:s6] =	dma.local [hbm:s2], $0x1  }
0x95: {  	_ =	swait.eq [sflag:s6], $0x1  }
0x96: {  	[sflag:s6] =	ssyncset.done $0x0  }
0x97: {  	s17 =	sld [smem:$0x10];
	[sflag:s6] =	ssyncadd.s32 $0xFFFFFFFF  }
0x98: {  	s18 =	sld [smem:$0x11];
	(tm) =	ssettm $0x1  }
0x99: {  	s19 =	sld [smem:$0x3FFB];
	_ =	sdelay $0x3  }
0x9a: {  	_ =	strace s19  }
0x9b: {  	s7 =	sld [smem:$0x3FFC];
	_ =	sdelay $0x3  }
0x9c: {  	_ =	strace s7  }
0x9d: {  	s7 =	sld [smem:$0x3FFD];
	_ =	sdelay $0x3  }
0x9e: {  	_ =	strace s7  }
0x9f: {  	_ =	strace $0x8FFFFFFF  }
0xa0: {  	s20 =	sld [smem:$0x3FDB];
	_ =	sdelay $0x1  }
0xa1: {  	s8 =	simm.s32 $_scs_section_size  }
0xa2: {  	s9 =	simm.s32 $_size__tile_overlayer_lowered;
	s10 =	simm.s32 $_tile_overlayer_lowered  }
0xa3: {  	s23 =	simm.s32 $0x1BFF;
	s22 =	sshll.u32 s10, $0x1;
	s7 =	sadd.s32 s8, s20  }
0xa4: {  	s11 =	simm.s32 $0x0;
	s21 =	sshll.u32 s9, $0x1;
	s9 =	sadd.s32 s22, s7  }
0xa5: {  	[timem:s11], [sflag:s23] =	dma.local [hbm:s9], s21  }
0xa6: {  	_ =	swait.ge [sflag:s23], s21  }
0xa7: {  	s8 =	ssub.s32 $0x0, s21;
	[sflag:s23] =	ssyncset.done $0x0  }
0xa8: {  	[sflag:s23] =	ssyncadd.s32 s8;
	_ =	sdelay $0x1  }
0xa9: {  	s24 =	simm.s32 $0x1B8B  }
0xaa: {  	_ =	swait.ge [sflag:s24], $0x1  }
0xab: {  	[sflag:s24] =	ssyncset.done $0x0  }
0xac: {  	s25 =	simm.s32 $0x1B8E;
	[sflag:s24] =	ssyncadd.s32 $0xFFFFFFFF  }
0xad: {  	s26 =	simm.s32 $execute0_lowered;
	[smem:$0x3FD2] =	sst s25  }
0xae: {  	s8 =	sshll.u32 s26, $0x1;
	_ =	strace $0x80000046;
	[dreg:$0x1] =	wrdreg $0xFFFFFFFF  }
0xaf: {  	s28 =	simm.s32 $_size_execute0_lowered;
	s7 =	sadd.s32 s7, s8;
	[dreg:$0x0] =	wrdreg $0x0  }
0xb0: {  	s8 =	sshll.u32 s28, $0x1;
	[dreg:$0x2] =	wrdreg s7  }
0xb1: {  	[dreg:$0x3] =	wrdreg s8  }
0xb2: {  	[dreg:$0x4] =	wrdreg $0xC0  }
0xb3: {  	_ =	task [dreg:s11], $0x5FFFF  }
0xb4: {  	[dreg:$0x1] =	wrdreg $0xFFFFFFFF  }
0xb5: {  	[dreg:$0x0] =	wrdreg $0x60  }
0xb6: {  	[dreg:$0x2] =	wrdreg s16  }
0xb7: {  	[dreg:$0x3] =	wrdreg s4  }
0xb8: {  	[dreg:$0x4] =	wrdreg s5  }
0xb9: {  	[dreg:$0x5] =	wrdreg s17  }
0xba: {  	[dreg:$0x6] =	wrdreg s18  }
0xbb: {  	[dreg:$0x7] =	wrdreg $0x0  }
0xbc: {  	[dreg:$0x8] =	wrdreg $0x400  }
0xbd: {  	[dreg:$0x9] =	wrdreg $0x9  }
0xbe: {  	_ =	task.clear_ibuf [dreg:s11], $0xAFFFF;
	_ =	strace $0x90000046  }
0xbf: {  	s29 =	simm.s32 $0x9;
	_ =	strace $0x80000048  }
0xc0: {  	_ =	swait.ge [sflag:s29], $0x1  }
0xc1: {  	[sflag:s29] =	ssyncadd.s32 $0xFFFFFFFF  }
0xc2: {  	_ =	strace $0x90000048  }
0xc3: {  	_ =	sfence  }
0xc4: {  	s30 =	sld [smem:$0x0];
	_ =	sdelay $0x2  }
0xc5: {  	s31 =	sshll.u32 s1, $0xD;
	s1 =	sshrl.u32 s1, $0x2  }
0xc6: {  	s3 =	sand.u32 $0x4000, s31;
	s1 =	sadd.s32 s1, s30  }
0xc7: {  	s0 =	sor.u32 s3, s0;
	s1 =	sshll.u32 s1, $0x11  }
0xc8: {  	s0 =	sor.u32 s1, s0  }
0xc9: {  	s0 =	sadd.s32 $0x8F2B, s0  }
0xca: {  	[sflag:s0] =	ssyncadd.remote.s32 $0x1  }
0xcb: {  	_ =	sfence.sel $0xFFFF  }
0xcc: {  	[dreg:$0x0] =	wrdreg $0xFFFFFFFF;
	(pc) =	sbr.abs _section_cstart, $3  }
0xcd: {  	[dreg:$0x1] =	wrdreg $0xFFFFFFFF  }
0xce: {  	_ =	task.clear_ibuf [dreg:s11], $0x2FFFF;
	_ =	strace $0x9FFFFFFF  }
0xcf: {  	(tm) =	ssettm $0x7FFFFFFF  }
tec
execute0_lowered:
.L_overlay_start_1:
0x0: {  	(tag) =	ssettag $0x1  }
0x1: {  	s0 =	rddreg [dreg:$0x0]  }
0x2: {  	s1 =	rddreg [dreg:$0x1]  }
0x3: {  	s6 =	rddreg [dreg:$0x2]  }
0x4: {  	s7 =	rddreg [dreg:$0x3]  }
0x5: {  	s8 =	rddreg [dreg:$0x4]  }
0x6: {  	s3 =	rddreg [dreg:$0x5]  }
0x7: {  	s4 =	rddreg [dreg:$0x6]  }
0x8: {  	s2 =	rddreg [dreg:$0x7];
	s9 =	srdreg.scid;
	s5 =	simm.s32 $0x0  }
0x9: {  	s21 =	stileid.u32;
	s13 =	simm.s32 $0x5;
	s14 =	simm.s32 $0x1  }
0xa: {  	s15 =	simm.s32 $0x200;
	s16 =	simm.s32 $0x280;
	s17 =	simm.s32 $0x480  }
0xb: {  	s18 =	simm.s32 $0x2;
	s19 =	simm.s32 $0x3;
	s20 =	simm.s32 $0x4  }
0xc: {  	s22 =	simm.s32 $0x1C05;
	s9 =	sand.u32 $0x1, s9;
	s11 =	sshll.u32 s21, $0x7  }
0xd: {  	[smem:$0x7FF] =	sst s5;
	p0 =	seq.s32 s21, $0x1;
	p1 =	sne.s32 s21, $0x0  }
.Ltmp0:
0xe: {  	s21 =	sshrl.u32 s3, $0x3;
	s10 =	ssub.s32 $0x2, s9;
	(pc) =	sbr.rel .LBB2_1-.Ltmp0, $4  }
0xf: {  	s9 =	sshll.u32 s9, $0x6;
	_ =	strace $0x80000047;
	s12 =	sshrl.u32 s10, $0x1  }
0x10: {  	s9 =	sor.u32 s9, s11;
	s11 =	sshrl.u32 s4, $0x3;
	s10 =	ssub.s32 s10, s12  }
0x11: {  	s6 =	sadd.s32 s6, s9;
	s7 =	sadd.s32 s7, s9;
	s8 =	sadd.s32 s8, s9  }
0x12: {  	s12 =	simm.s32 $0x1C45;
	s9 =	smax.u32 s10, $0x1;
	s10 =	simm.s32 $0x80  }
.LBB2_4:
0x13: {  	[spmem:s11], [sflag:s12] =	dma.local [hbm:s1], $0x80  }
.LBB2_5:
0x14: {  	_ =	swait.ge [sflag:s13], $0x80  }
0x15: {  	[sflag:s13] =	ssyncset.done $0x0  }
0x16: {  	[sflag:s13] =	ssyncadd.s32 $0xFFFFFF80  }
.LBB2_6:
0x17: {  	[bflag:$0x0] =	sbarrier.arrive $0xFFFF  }
0x18: {  	_ =	swait.ge [sflag:s14], $0x200  }
0x19: {  	[sflag:s14] =	ssyncset.done $0x0  }
0x1a: {  	[sflag:s14] =	ssyncadd.s32 $0xFFFFFE00  }
0x1b: {  	[tilespmem:s16], [sflag:$0x2] =	stream.indirect.gather [spmem:s3], $0x1, s10, s15, $0xb8;
	[tilespmem:$0x680] =	vst v63  }
0x1c: {  	_ = 	snop  }
0x1d: {  	[tilespmem:s17], [sflag:$0x3] =	stream.indirect.gather [spmem:s4], $0x1, s10, s15, $0xb8;
	[tilespmem:$0x680] =	vst v63  }
0x1e: {  	_ =	swait.ge [sflag:s18], $0x200  }
0x1f: {  	[sflag:s18] =	ssyncset.done $0x0  }
0x20: {  	[sflag:s18] =	ssyncadd.s32 $0xFFFFFE00  }
0x21: {  	_ =	swait.ge [sflag:s19], $0x200  }
0x22: {  	[sflag:s19] =	ssyncset.done $0x0  }
0x23: {  	[sflag:s19] =	ssyncadd.s32 $0xFFFFFE00  }
0x24: {  	[hbm4b:s7+s5] =	stream.linear.scatter [tilespmem:s16], [sflag:$0x4], $0x200, $0x38;
	[tilespmem:$0x680] =	vst v63  }
0x25: {  	s9 =	sadd.s32 $0xFFFFFFFF, s9  }
0x26: {  	[hbm4b:s8+s5] =	stream.linear.scatter [tilespmem:s17], [sflag:$0x4], $0x200, $0x38;
	[tilespmem:$0x680] =	vst v63  }
0x27: {  	p2 =	sne.s32 s9, $0x0;
	_ =	swait.ge [sflag:s20], $0x200  }
.Ltmp1:
0x28: {  	[sflag:s20] =	ssyncset.done $0x0;
	(pc) =	sbr.rel @!p2 .LBB2_7-.Ltmp1, $4  }
0x29: {  	[sflag:s20] =	ssyncadd.s32 $0xFFFFFE00  }
0x2a: {  	_ =	swait.ge [sflag:s20], $0x200  }
0x2b: {  	[sflag:s20] =	ssyncset.done $0x0  }
0x2c: {  	[sflag:s20] =	ssyncadd.s32 $0xFFFFFE00  }
.LBB2_1:
.Ltmp2:
0x2d: {  	(pc) =	sbr.rel @p0 .LBB2_4-.Ltmp2, $2  }
0x2e: {  	_ =	sdelay $0x2  }
0x2f: {  	[tilespmem:s10], [sflag:$0x1] =	stream.linear.gather [hbm4b:s6+s5], $0x200, $0x38;
	[tilespmem:$0x680] =	vst v63  }
.Ltmp3:
0x30: {  	(pc) =	sbr.rel @p1 .LBB2_6-.Ltmp3, $1  }
0x31: {  	_ =	sdelay $0x3  }
.Ltmp4:
0x32: {  	(pc) =	sbr.rel .LBB2_5-.Ltmp4, $2  }
0x33: {  	_ =	sdelay $0x2  }
0x34: {  	[spmem:s21], [sflag:s22] =	dma.local [hbm:s0], $0x80  }
.LBB2_7:
0x35: {  	_ =	sfence.sel $0x180000  }
0x36: {  	[bflag:$0x0] =	sbarrier.arrive $0xFFFF  }
0x37: {  	_ =	strace $0x90000047  }
0x38: {  	s0 =	sadd.s32 @!p1 $0x100000, s2;
	[bflag:$0x2] =	sbarrier.arrive $0xFFFF  }
0x39: {  	[sflag:s0] =	ssyncadd.tile.s32 @!p1 $0x1;
	_ =	shalt  }
.Lfunc_end2:
_tile_overlayer_lowered:
.L_overlay_start_2:
0x3a: {  	(tag) =	ssettag $0x2  }
0x3b: {  	s0 =	rddreg [dreg:$0x0];
	s2 =	stileid.u32  }
0x3c: {  	s1 =	rddreg [dreg:$0x1];
	p0 =	sne.s32 s2, $0x0  }
0x3d: {  	s3 =	rddreg [dreg:$0x2];
	[bflag:$0x3] =	sbarrier.arrive $0xFFFF;
	s2 =	simm.s32 @!p0 $0x1C05  }
0x3e: {  	[timem:s3], [sflag:s2] =	dma.local @!p0 [hbm:s0], s1  }
0x3f: {  	s0 =	simm.s32 @!p0 $0x5  }
0x40: {  	_ =	swait.ge @!p0 [sflag:s0], s1  }
0x41: {  	s1 =	ssub.s32 @!p0 $0x0, s1;
	[sflag:s0] =	ssyncset.done @!p0 $0x0  }
0x42: {  	[sflag:s0] =	ssyncadd.s32 @!p0 s1  }
0x43: {  	[bflag:$0x3] =	sbarrier.arrive $0xFFFF  }
0x44: {  	_ =	shalt  }

</sc_bundles>
